<compile_context>
chip_gen: v7x
topology: tpu7x:2x2x1
jax: 0.10.2.dev20260603
libtpu: 0.0.44.dev20260713+nightly
codegen_flags: <defaults>
</compile_context>

<pallas_src>
import jax
import jax.numpy as jnp
from jax.experimental import pallas as pl
from jax.experimental.pallas import tpu as pltpu
from jax.experimental.pallas import tpu_sc as plsc

_K = 8
_T = 1000
_TP = 1024
_D = 4096
_B = 128

_MM_PRECISION = jax.lax.Precision.DEFAULT

_NC = 2
_NS = 16
_NW = _NC * _NS


def _sc_gather(table, idx):
    n = idx.shape[0]
    v = table.shape[1]
    b_per_w = n // _NW

    @pl.kernel(
        out_type=jax.ShapeDtypeStruct((n, v), table.dtype),
        mesh=plsc.VectorSubcoreMesh(core_axis_name="c", subcore_axis_name="s"),
        scratch_types=[
            pltpu.VMEM((b_per_w,), jnp.int32),
            pltpu.VMEM((b_per_w, v), table.dtype),
            pltpu.SemaphoreType.DMA,
        ],
    )
    def gather_kernel(tab_hbm, i_hbm, o_hbm, idx_v, rows_v, sem):
        wid = jax.lax.axis_index("s") * _NC + jax.lax.axis_index("c")
        base = wid * b_per_w
        pltpu.sync_copy(i_hbm.at[pl.ds(base, b_per_w)], idx_v)
        pltpu.async_copy(tab_hbm.at[idx_v], rows_v, sem).wait()
        pltpu.sync_copy(rows_v, o_hbm.at[pl.ds(base, b_per_w)])

    return gather_kernel(table, idx)


def _mm_body(x_ref, w_ref, b_ref, o_ref):
    o_ref[...] = (
        jax.lax.dot_general(
            x_ref[...],
            w_ref[pl.ds(_T, _D), :],
            (((1,), (0,)), ((), ())),
            precision=_MM_PRECISION,
            preferred_element_type=jnp.float32,
        )
        + b_ref[...]
    )


def _combine_body(g_ref, xw_ref, beam_ref, vals_ref, parent_ref, tag_ref):
    g = g_ref[...][:, :, :_T]
    g = g.astype(jnp.bfloat16).astype(jnp.float32)
    logits = g + xw_ref[...][:, None, :]
    m = jnp.max(logits, axis=2, keepdims=True)
    e = jnp.exp(logits - m)
    lse = jnp.log(jnp.sum(e, axis=2, keepdims=True))
    logp = (logits - m) - lse
    scores = beam_ref[...][:, :, None] + logp

    kio = jax.lax.broadcasted_iota(jnp.int32, scores.shape, 1)
    tio = jax.lax.broadcasted_iota(jnp.int32, scores.shape, 2)
    flat = kio * _T + tio

    big = jnp.int32(2**30)
    s = scores
    vals_cols, idx_cols = [], []
    for _ in range(_K):
        mj = jnp.max(jnp.max(s, axis=2), axis=1)
        cand = jnp.where(s == mj[:, None, None], flat, big)
        ij = jnp.min(jnp.min(cand, axis=2), axis=1)
        vals_cols.append(mj)
        idx_cols.append(ij)
        s = jnp.where(flat == ij[:, None, None], -jnp.inf, s)

    vals = jnp.stack(vals_cols, axis=1)
    idx = jnp.stack(idx_cols, axis=1)
    parent = idx // _T
    vals_ref[...] = vals
    parent_ref[...] = parent
    tag_ref[...] = idx - parent * _T


def _tc_matmul(x, w_full, b2d):
    return pl.pallas_call(
        _mm_body,
        out_shape=jax.ShapeDtypeStruct((_B, _T), jnp.float32),
    )(x, w_full, b2d)


def _tc_combine(g3, xw, beam_scores):
    bb = 32
    grid = (_B // bb,)
    return pl.pallas_call(
        _combine_body,
        grid=grid,
        in_specs=[
            pl.BlockSpec((bb, _K, _TP), lambda i: (i, 0, 0)),
            pl.BlockSpec((bb, _T), lambda i: (i, 0)),
            pl.BlockSpec((bb, _K), lambda i: (i, 0)),
        ],
        out_specs=[
            pl.BlockSpec((bb, _K), lambda i: (i, 0)),
            pl.BlockSpec((bb, _K), lambda i: (i, 0)),
            pl.BlockSpec((bb, _K), lambda i: (i, 0)),
        ],
        out_shape=[
            jax.ShapeDtypeStruct((_B, _K), jnp.float32),
            jax.ShapeDtypeStruct((_B, _K), jnp.int32),
            jax.ShapeDtypeStruct((_B, _K), jnp.int32),
        ],
    )(g3, xw, beam_scores)


def kernel(x, prev_tags, beam_scores, W, b):
    w_tag = jnp.pad(W[:_T], ((0, 0), (0, _TP - _T)))
    g = _sc_gather(w_tag, prev_tags.reshape(_B * _K))
    xw = _tc_matmul(x, W, b.reshape(1, _T))
    g3 = g.reshape(_B, _K, _TP)
    return _tc_combine(g3, xw, beam_scores)

# --- scband reference (transcript-rebuilt; emitter-appended) ---
"""Pipeline reference for scband-beam-memm-81922206204489 (READ-ONLY COPY).

The authoritative reference and input builder live on the scoring server;
editing this copy changes nothing except your own understanding.
"""

import jax, jax.numpy as jnp
import numpy as np

K = 8
NUM_TAGS = 1000
D_FEAT = 4096
BATCH = 128


def setup_inputs(seed: int = 0) -> dict:
    key = jax.random.key(seed)
    k1, k2, k3, k4, k5 = jax.random.split(key, 5)
    x = jax.random.normal(k1, (BATCH, D_FEAT), dtype=jnp.float32)
    prev_tags = jax.random.randint(k2, (BATCH, K), 0, NUM_TAGS, dtype=jnp.int32)
    beam_scores = jax.random.normal(k3, (BATCH, K), dtype=jnp.float32)
    # maxent Dense params: input is concat(one_hot(tag), x) -> [num_tags + d_feat]
    W = jax.random.normal(k4, (NUM_TAGS + D_FEAT, NUM_TAGS), dtype=jnp.float32) * 0.02
    b = jnp.zeros((NUM_TAGS,), dtype=jnp.float32)
    return {"x": x, "prev_tags": prev_tags, "beam_scores": beam_scores, "W": W, "b": b}


def reference(x, prev_tags, beam_scores, W, b):
    # One beam-search MEMM step (BeamMEMM.step):
    # for each of the k beam hypotheses, encode the previous tag (one-hot via
    # TagEncoder with DefEmb identity embedding), concat with features x,
    # run the maxent Dense(softmax), take log-probs, add accumulated beam
    # score, and select the global top-k (get_k_max) over k * num_tags choices.
    B = x.shape[0]
    tag_onehot = jax.nn.one_hot(prev_tags, NUM_TAGS, dtype=x.dtype)          # [B, K, T]
    x_b = jnp.broadcast_to(x[:, None, :], (B, K, x.shape[1]))                # [B, K, D]
    newx = jnp.concatenate([tag_onehot, x_b], axis=-1)                       # [B, K, T+D]
    logits = jnp.einsum('bkd,dt->bkt', newx, W) + b                          # [B, K, T]
    log_p = jax.nn.log_softmax(logits, axis=-1)                              # log(softmax) == np.log(maxent.predict)
    scores = beam_scores[:, :, None] + log_p                                 # [B, K, T]
    flat = scores.reshape(B, K * NUM_TAGS)
    topk_vals, topk_idx = jax.lax.top_k(flat, K)                             # get_k_max(choices, k)
    parent = topk_idx // NUM_TAGS                                            # past_i backpointer
    tag = topk_idx % NUM_TAGS                                                # cls_names index
    return topk_vals, parent, tag

if __name__ == "__main__":
    import jax
    _d = setup_inputs()
    print(jax.jit(kernel)(*tuple(_d.values())))

</pallas_src>

<mosaic_0001>
#map = affine_map<(d0, d1) -> (0, 0)>
#map1 = affine_map<(d0, d1) -> (0)>
module attributes {stable_mosaic.version = 14 : i64} {
  func.func @gather_kernel(%arg0: i32, %arg1: i32, %arg2: memref<1000x1024xf32, #tpu.memory_space<hbm>>, %arg3: memref<1024xi32, #tpu.memory_space<hbm>>, %arg4: memref<1024x1024xf32, #tpu.memory_space<hbm>>, %arg5: memref<32xi32, #tpu.memory_space<vmem>>, %arg6: memref<32x1024xf32, #tpu.memory_space<vmem>>, %arg7: memref<!tpu.dma_semaphore, #tpu.memory_space<semaphore_mem>>) attributes {dimension_semantics = [#tpu.dimension_semantics<core_parallel>, #tpu.dimension_semantics<subcore_parallel>], iteration_bounds = array<i64: 2, 16>, scalar_prefetch = 0 : i64, scratch_operands = 3 : i64, tpu.core_type = #tpu.core_type<sc_vector_subcore>, window_params = [{transform_indices = #map}, {transform_indices = #map1}, {transform_indices = #map}]} {
    %mul3A = arith.constant 2 : i32
    %mul3A_0 = arith.muli %arg1, %mul3A : i32
    %add3A = arith.addi %mul3A_0, %arg0 : i32
    %mul3A_1 = arith.constant 32 : i32
    %mul3A_2 = arith.muli %add3A, %mul3A_1 : i32
    "tpu.region"() ({
      %run_scoped3A = tpu.sem_alloc : memref<!tpu.dma_semaphore, #tpu.memory_space<semaphore_mem>>
      %dma_start3A_7 = tpu.memref_slice %arg3[%mul3A_2] : memref<1024xi32, #tpu.memory_space<hbm>> -> memref<32xi32, #tpu.memory_space<hbm>>
      %dma_start3A_8 = tpu.memref_slice %arg3[%mul3A_2] : memref<1024xi32, #tpu.memory_space<hbm>> -> memref<32xi32, #tpu.memory_space<hbm>>
      tpu.enqueue_dma source(%dma_start3A_8 : memref<32xi32, #tpu.memory_space<hbm>>) target(%arg5 : memref<32xi32, #tpu.memory_space<vmem>>) target_semaphore(%run_scoped3A : memref<!tpu.dma_semaphore, #tpu.memory_space<semaphore_mem>>)
      %dma_wait3A_9 = tpu.memref_slice %arg3[%mul3A_2] : memref<1024xi32, #tpu.memory_space<hbm>> -> memref<32xi32, #tpu.memory_space<hbm>>
      %dma_wait3A_10 = tpu.memref_slice %arg3[%mul3A_2] : memref<1024xi32, #tpu.memory_space<hbm>> -> memref<32xi32, #tpu.memory_space<hbm>>
      tpu.wait_dma2 semaphore(%run_scoped3A : memref<!tpu.dma_semaphore, #tpu.memory_space<semaphore_mem>>) src(%dma_wait3A_10 : memref<32xi32, #tpu.memory_space<hbm>>) dst(%arg5 : memref<32xi32, #tpu.memory_space<vmem>>)
      tpu.yield
    }) : () -> ()
    %dma_start3A = arith.constant 0 : i32
    %dma_start3A_3 = arith.constant 0 : i32
    %dma_start3A_4 = tpu.memref_slice %arg2[%dma_start3A, %dma_start3A_3] : memref<1000x1024xf32, #tpu.memory_space<hbm>> -> memref<1000x1024xf32, #tpu.memory_space<hbm>>
    tpu.enqueue_indirect_dma source(%dma_start3A_4 : memref<1000x1024xf32, #tpu.memory_space<hbm>>) target(%arg6 : memref<32x1024xf32, #tpu.memory_space<vmem>>) offsets(%arg5 : memref<32xi32, #tpu.memory_space<vmem>>) semaphore(%arg7 : memref<!tpu.dma_semaphore, #tpu.memory_space<semaphore_mem>>)
    %dma_wait3A = arith.constant 0 : i32
    %dma_wait3A_5 = arith.constant 0 : i32
    %dma_wait3A_6 = tpu.memref_slice %arg2[%dma_wait3A, %dma_wait3A_5] : memref<1000x1024xf32, #tpu.memory_space<hbm>> -> memref<1000x1024xf32, #tpu.memory_space<hbm>>
    tpu.wait_indirect_dma semaphore(%arg7 : memref<!tpu.dma_semaphore, #tpu.memory_space<semaphore_mem>>) src(%dma_wait3A_6 : memref<1000x1024xf32, #tpu.memory_space<hbm>>) dst(%arg6 : memref<32x1024xf32, #tpu.memory_space<vmem>>)
    "tpu.region"() ({
      %run_scoped3A = tpu.sem_alloc : memref<!tpu.dma_semaphore, #tpu.memory_space<semaphore_mem>>
      %dma_start3A_7 = arith.constant 0 : i32
      %dma_start3A_8 = tpu.memref_slice %arg4[%mul3A_2, %dma_start3A_7] : memref<1024x1024xf32, #tpu.memory_space<hbm>> -> memref<32x1024xf32, #tpu.memory_space<hbm>>
      %dma_start3A_9 = arith.constant 0 : i32
      %dma_start3A_10 = tpu.memref_slice %arg4[%mul3A_2, %dma_start3A_9] : memref<1024x1024xf32, #tpu.memory_space<hbm>> -> memref<32x1024xf32, #tpu.memory_space<hbm>>
      tpu.enqueue_dma source(%arg6 : memref<32x1024xf32, #tpu.memory_space<vmem>>) target(%dma_start3A_10 : memref<32x1024xf32, #tpu.memory_space<hbm>>) target_semaphore(%run_scoped3A : memref<!tpu.dma_semaphore, #tpu.memory_space<semaphore_mem>>)
      %dma_wait3A_11 = arith.constant 0 : i32
      %dma_wait3A_12 = tpu.memref_slice %arg4[%mul3A_2, %dma_wait3A_11] : memref<1024x1024xf32, #tpu.memory_space<hbm>> -> memref<32x1024xf32, #tpu.memory_space<hbm>>
      %dma_wait3A_13 = arith.constant 0 : i32
      %dma_wait3A_14 = tpu.memref_slice %arg4[%mul3A_2, %dma_wait3A_13] : memref<1024x1024xf32, #tpu.memory_space<hbm>> -> memref<32x1024xf32, #tpu.memory_space<hbm>>
      tpu.wait_dma2 semaphore(%run_scoped3A : memref<!tpu.dma_semaphore, #tpu.memory_space<semaphore_mem>>) src(%arg6 : memref<32x1024xf32, #tpu.memory_space<vmem>>) dst(%dma_wait3A_14 : memref<32x1024xf32, #tpu.memory_space<hbm>>)
      tpu.yield
    }) : () -> ()
    return
  }
}

module attributes {stable_mosaic.version = 14 : i64} {
  func.func @_mm_body(%arg0: memref<128x4096xf32, #tpu.memory_space<vmem>>, %arg1: memref<5096x1000xf32, #tpu.memory_space<vmem>>, %arg2: memref<1x1000xf32, #tpu.memory_space<vmem>>, %arg3: memref<128x1000xf32, #tpu.memory_space<vmem>>) attributes {dimension_semantics = [], scalar_prefetch = 0 : i64, scratch_operands = 0 : i64, tpu.core_type = #tpu.core_type<tc>} {
    %get3A = arith.constant 0 : index
    %get3A_0 = arith.constant 0 : index
    %get3A_1 = vector.load %arg0[%get3A, %get3A_0] : memref<128x4096xf32, #tpu.memory_space<vmem>>, vector<128x4096xf32>
    %get3A_2 = arith.constant 1000 : index
    %get3A_3 = arith.constant 0 : index
    %get3A_4 = vector.load %arg1[%get3A_2, %get3A_3] : memref<5096x1000xf32, #tpu.memory_space<vmem>>, vector<4096x1000xf32>
    %dot_general3A = arith.constant dense<0.000000e+00> : vector<128x1000xf32>
    %dot_general3A_5 = tpu.matmul %get3A_1, %get3A_4, %dot_general3A {dimension_numbers = #tpu.dot_dimension_numbers<[1], [0], [0], [1], [0, 0, 1, 1], [], []>, transpose_lhs_hint = false} : vector<128x4096xf32>, vector<4096x1000xf32>, vector<128x1000xf32> -> vector<128x1000xf32>
    %get3A_6 = arith.constant 0 : index
    %get3A_7 = arith.constant 0 : index
    %get3A_8 = vector.load %arg2[%get3A_6, %get3A_7] : memref<1x1000xf32, #tpu.memory_space<vmem>>, vector<1x1000xf32>
    %add3A = vector.broadcast %get3A_8 : vector<1x1000xf32> to vector<128x1000xf32>
    %add3A_9 = arith.addf %dot_general3A_5, %add3A : vector<128x1000xf32>
    %swap3A = arith.constant 0 : index
    %swap3A_10 = arith.constant 0 : index
    %swap3A_11 = vector.load %arg3[%swap3A, %swap3A_10] : memref<128x1000xf32, #tpu.memory_space<vmem>>, vector<128x1000xf32>
    tpu.vector_store %arg3[%swap3A, %swap3A_10], %add3A_9 {strides = array<i32>} : memref<128x1000xf32, #tpu.memory_space<vmem>>, vector<128x1000xf32>,
    return
  }
}

module attributes {stable_mosaic.version = 14 : i64} {
  func.func @_combine_body(%arg0: i32, %arg1: memref<32x8x1024xf32, #tpu.memory_space<vmem>>, %arg2: memref<32x1000xf32, #tpu.memory_space<vmem>>, %arg3: memref<32x8xf32, #tpu.memory_space<vmem>>, %arg4: memref<32x8xf32, #tpu.memory_space<vmem>>, %arg5: memref<32x8xi32, #tpu.memory_space<vmem>>, %arg6: memref<32x8xi32, #tpu.memory_space<vmem>>) attributes {dimension_semantics = [#tpu.dimension_semantics<arbitrary>], iteration_bounds = array<i64: 4>, scalar_prefetch = 0 : i64, scratch_operands = 0 : i64, tpu.core_type = #tpu.core_type<tc>, window_params = [{transform_indices = @transform_0, window_bounds = array<i64: 32, 8, 1024>}, {transform_indices = @transform_1, window_bounds = array<i64: 32, 1000>}, {transform_indices = @transform_2, window_bounds = array<i64: 32, 8>}, {transform_indices = @transform_3, window_bounds = array<i64: 32, 8>}, {transform_indices = @transform_4, window_bounds = array<i64: 32, 8>}, {transform_indices = @transform_5, window_bounds = array<i64: 32, 8>}]} {
    %get3A = arith.constant 0 : index
    %get3A_0 = arith.constant 0 : index
    %get3A_1 = arith.constant 0 : index
    %get3A_2 = vector.load %arg1[%get3A, %get3A_0, %get3A_1] : memref<32x8x1024xf32, #tpu.memory_space<vmem>>, vector<32x8x1024xf32>
    %slice3A = vector.extract_strided_slice %get3A_2 {offsets = [0, 0, 0], sizes = [32, 8, 1000], strides = [1, 1, 1]} : vector<32x8x1024xf32> to vector<32x8x1000xf32>
    %convert_element_type3A = arith.truncf %slice3A : vector<32x8x1000xf32> to vector<32x8x1000xbf16>
    %convert_element_type3A_3 = arith.extf %convert_element_type3A : vector<32x8x1000xbf16> to vector<32x8x1000xf32>
    %get3A_4 = arith.constant 0 : index
    %get3A_5 = arith.constant 0 : index
    %get3A_6 = vector.load %arg2[%get3A_4, %get3A_5] : memref<32x1000xf32, #tpu.memory_space<vmem>>, vector<32x1000xf32>
    %broadcast_in_dim3A = vector.shape_cast %get3A_6 : vector<32x1000xf32> to vector<32x1x1000xf32>
    %add3A = vector.broadcast %broadcast_in_dim3A : vector<32x1x1000xf32> to vector<32x8x1000xf32>
    %add3A_7 = arith.addf %convert_element_type3A_3, %add3A : vector<32x8x1000xf32>
    %reduce_max3A = arith.constant dense<0xFF800000> : vector<32x8xf32>
    %reduce_max3A_8 = vector.multi_reduction <maximumf>, %add3A_7, %reduce_max3A [2] : vector<32x8x1000xf32> to vector<32x8xf32>
    %broadcast_in_dim3A_9 = vector.shape_cast %reduce_max3A_8 : vector<32x8xf32> to vector<32x8x1xf32>
    %sub3A = vector.broadcast %broadcast_in_dim3A_9 : vector<32x8x1xf32> to vector<32x8x1000xf32>
    %sub3A_10 = arith.subf %add3A_7, %sub3A : vector<32x8x1000xf32>
    %exp3A = math.exp %sub3A_10 : vector<32x8x1000xf32>
    %reduce_sum3A = arith.constant dense<0.000000e+00> : vector<32x8xf32>
    %reduce_sum3A_11 = vector.multi_reduction <add>, %exp3A, %reduce_sum3A [2] : vector<32x8x1000xf32> to vector<32x8xf32>
    %broadcast_in_dim3A_12 = vector.shape_cast %reduce_sum3A_11 : vector<32x8xf32> to vector<32x8x1xf32>
    %log3A = math.log %broadcast_in_dim3A_12 : vector<32x8x1xf32>
    %sub3A_13 = vector.broadcast %broadcast_in_dim3A_9 : vector<32x8x1xf32> to vector<32x8x1000xf32>
    %sub3A_14 = arith.subf %add3A_7, %sub3A_13 : vector<32x8x1000xf32>
    %sub3A_15 = vector.broadcast %log3A : vector<32x8x1xf32> to vector<32x8x1000xf32>
    %sub3A_16 = arith.subf %sub3A_14, %sub3A_15 : vector<32x8x1000xf32>
    %get3A_17 = arith.constant 0 : index
    %get3A_18 = arith.constant 0 : index
    %get3A_19 = vector.load %arg3[%get3A_17, %get3A_18] : memref<32x8xf32, #tpu.memory_space<vmem>>, vector<32x8xf32>
    %broadcast_in_dim3A_20 = vector.shape_cast %get3A_19 : vector<32x8xf32> to vector<32x8x1xf32>
    %add3A_21 = vector.broadcast %broadcast_in_dim3A_20 : vector<32x8x1xf32> to vector<32x8x1000xf32>
    %add3A_22 = arith.addf %add3A_21, %sub3A_16 : vector<32x8x1000xf32>
    %iota3A = tpu.iota {dimensions = array<i32: 1>} : vector<32x8x1000xi32>
    %iota3A_23 = tpu.iota {dimensions = array<i32: 2>} : vector<32x8x1000xi32>
    %mul3A = arith.constant 1000 : i32
    %mul3A_24 = vector.broadcast %mul3A : i32 to vector<32x8x1000xi32>
    %mul3A_25 = arith.muli %iota3A, %mul3A_24 : vector<32x8x1000xi32>
    %add3A_26 = arith.addi %mul3A_25, %iota3A_23 : vector<32x8x1000xi32>
    %reduce_max3A_27 = arith.constant dense<0xFF800000> : vector<32x8xf32>
    %reduce_max3A_28 = vector.multi_reduction <maximumf>, %add3A_22, %reduce_max3A_27 [2] : vector<32x8x1000xf32> to vector<32x8xf32>
    %reduce_max3A_29 = arith.constant dense<0xFF800000> : vector<32xf32>
    %reduce_max3A_30 = vector.multi_reduction <maximumf>, %reduce_max3A_28, %reduce_max3A_29 [1] : vector<32x8xf32> to vector<32xf32>
    %broadcast_in_dim3A_31 = vector.shape_cast %reduce_max3A_30 : vector<32xf32> to vector<32x1x1xf32>
    %eq3A = vector.broadcast %broadcast_in_dim3A_31 : vector<32x1x1xf32> to vector<32x8x1000xf32>
    %eq3A_32 = arith.cmpf oeq, %add3A_22, %eq3A : vector<32x8x1000xf32>
    %jit3A = arith.constant 1073741824 : i32
    %broadcast_in_dim3A_33 = vector.broadcast %jit3A : i32 to vector<32x8x1000xi32>
    %select_n3A = arith.select %eq3A_32, %add3A_26, %broadcast_in_dim3A_33 : vector<32x8x1000xi1>, vector<32x8x1000xi32>
    %reduce_min3A = arith.constant dense<2147483647> : vector<32x8xi32>
    %reduce_min3A_34 = vector.multi_reduction <minsi>, %select_n3A, %reduce_min3A [2] : vector<32x8x1000xi32> to vector<32x8xi32>
    %reduce_min3A_35 = arith.constant dense<2147483647> : vector<32xi32>
    %reduce_min3A_36 = vector.multi_reduction <minsi>, %reduce_min3A_34, %reduce_min3A_35 [1] : vector<32x8xi32> to vector<32xi32>
    %broadcast_in_dim3A_37 = vector.shape_cast %reduce_min3A_36 : vector<32xi32> to vector<32x1x1xi32>
    %eq3A_38 = vector.broadcast %broadcast_in_dim3A_37 : vector<32x1x1xi32> to vector<32x8x1000xi32>
    %eq3A_39 = arith.cmpi eq, %add3A_26, %eq3A_38 : vector<32x8x1000xi32>
    %jit3A_40 = arith.constant 0xFF800000 : f32
    %broadcast_in_dim3A_41 = vector.broadcast %jit3A_40 : f32 to vector<32x8x1000xf32>
    %select_n3A_42 = arith.select %eq3A_39, %broadcast_in_dim3A_41, %add3A_22 : vector<32x8x1000xi1>, vector<32x8x1000xf32>
    %reduce_max3A_43 = arith.constant dense<0xFF800000> : vector<32x8xf32>
    %reduce_max3A_44 = vector.multi_reduction <maximumf>, %select_n3A_42, %reduce_max3A_43 [2] : vector<32x8x1000xf32> to vector<32x8xf32>
    %reduce_max3A_45 = arith.constant dense<0xFF800000> : vector<32xf32>
    %reduce_max3A_46 = vector.multi_reduction <maximumf>, %reduce_max3A_44, %reduce_max3A_45 [1] : vector<32x8xf32> to vector<32xf32>
    %broadcast_in_dim3A_47 = vector.shape_cast %reduce_max3A_46 : vector<32xf32> to vector<32x1x1xf32>
    %eq3A_48 = vector.broadcast %broadcast_in_dim3A_47 : vector<32x1x1xf32> to vector<32x8x1000xf32>
    %eq3A_49 = arith.cmpf oeq, %select_n3A_42, %eq3A_48 : vector<32x8x1000xf32>
    %jit3A_50 = arith.constant 1073741824 : i32
    %broadcast_in_dim3A_51 = vector.broadcast %jit3A_50 : i32 to vector<32x8x1000xi32>
    %select_n3A_52 = arith.select %eq3A_49, %add3A_26, %broadcast_in_dim3A_51 : vector<32x8x1000xi1>, vector<32x8x1000xi32>
    %reduce_min3A_53 = arith.constant dense<2147483647> : vector<32x8xi32>
    %reduce_min3A_54 = vector.multi_reduction <minsi>, %select_n3A_52, %reduce_min3A_53 [2] : vector<32x8x1000xi32> to vector<32x8xi32>
    %reduce_min3A_55 = arith.constant dense<2147483647> : vector<32xi32>
    %reduce_min3A_56 = vector.multi_reduction <minsi>, %reduce_min3A_54, %reduce_min3A_55 [1] : vector<32x8xi32> to vector<32xi32>
    %broadcast_in_dim3A_57 = vector.shape_cast %reduce_min3A_56 : vector<32xi32> to vector<32x1x1xi32>
    %eq3A_58 = vector.broadcast %broadcast_in_dim3A_57 : vector<32x1x1xi32> to vector<32x8x1000xi32>
    %eq3A_59 = arith.cmpi eq, %add3A_26, %eq3A_58 : vector<32x8x1000xi32>
    %jit3A_60 = arith.constant 0xFF800000 : f32
    %broadcast_in_dim3A_61 = vector.broadcast %jit3A_60 : f32 to vector<32x8x1000xf32>
    %select_n3A_62 = arith.select %eq3A_59, %broadcast_in_dim3A_61, %select_n3A_42 : vector<32x8x1000xi1>, vector<32x8x1000xf32>
    %reduce_max3A_63 = arith.constant dense<0xFF800000> : vector<32x8xf32>
    %reduce_max3A_64 = vector.multi_reduction <maximumf>, %select_n3A_62, %reduce_max3A_63 [2] : vector<32x8x1000xf32> to vector<32x8xf32>
    %reduce_max3A_65 = arith.constant dense<0xFF800000> : vector<32xf32>
    %reduce_max3A_66 = vector.multi_reduction <maximumf>, %reduce_max3A_64, %reduce_max3A_65 [1] : vector<32x8xf32> to vector<32xf32>
    %broadcast_in_dim3A_67 = vector.shape_cast %reduce_max3A_66 : vector<32xf32> to vector<32x1x1xf32>
    %eq3A_68 = vector.broadcast %broadcast_in_dim3A_67 : vector<32x1x1xf32> to vector<32x8x1000xf32>
    %eq3A_69 = arith.cmpf oeq, %select_n3A_62, %eq3A_68 : vector<32x8x1000xf32>
    %jit3A_70 = arith.constant 1073741824 : i32
    %broadcast_in_dim3A_71 = vector.broadcast %jit3A_70 : i32 to vector<32x8x1000xi32>
    %select_n3A_72 = arith.select %eq3A_69, %add3A_26, %broadcast_in_dim3A_71 : vector<32x8x1000xi1>, vector<32x8x1000xi32>
    %reduce_min3A_73 = arith.constant dense<2147483647> : vector<32x8xi32>
    %reduce_min3A_74 = vector.multi_reduction <minsi>, %select_n3A_72, %reduce_min3A_73 [2] : vector<32x8x1000xi32> to vector<32x8xi32>
    %reduce_min3A_75 = arith.constant dense<2147483647> : vector<32xi32>
    %reduce_min3A_76 = vector.multi_reduction <minsi>, %reduce_min3A_74, %reduce_min3A_75 [1] : vector<32x8xi32> to vector<32xi32>
    %broadcast_in_dim3A_77 = vector.shape_cast %reduce_min3A_76 : vector<32xi32> to vector<32x1x1xi32>
    %eq3A_78 = vector.broadcast %broadcast_in_dim3A_77 : vector<32x1x1xi32> to vector<32x8x1000xi32>
    %eq3A_79 = arith.cmpi eq, %add3A_26, %eq3A_78 : vector<32x8x1000xi32>
    %jit3A_80 = arith.constant 0xFF800000 : f32
    %broadcast_in_dim3A_81 = vector.broadcast %jit3A_80 : f32 to vector<32x8x1000xf32>
    %select_n3A_82 = arith.select %eq3A_79, %broadcast_in_dim3A_81, %select_n3A_62 : vector<32x8x1000xi1>, vector<32x8x1000xf32>
    %reduce_max3A_83 = arith.constant dense<0xFF800000> : vector<32x8xf32>
    %reduce_max3A_84 = vector.multi_reduction <maximumf>, %select_n3A_82, %reduce_max3A_83 [2] : vector<32x8x1000xf32> to vector<32x8xf32>
    %reduce_max3A_85 = arith.constant dense<0xFF800000> : vector<32xf32>
    %reduce_max3A_86 = vector.multi_reduction <maximumf>, %reduce_max3A_84, %reduce_max3A_85 [1] : vector<32x8xf32> to vector<32xf32>
    %broadcast_in_dim3A_87 = vector.shape_cast %reduce_max3A_86 : vector<32xf32> to vector<32x1x1xf32>
    %eq3A_88 = vector.broadcast %broadcast_in_dim3A_87 : vector<32x1x1xf32> to vector<32x8x1000xf32>
    %eq3A_89 = arith.cmpf oeq, %select_n3A_82, %eq3A_88 : vector<32x8x1000xf32>
    %jit3A_90 = arith.constant 1073741824 : i32
    %broadcast_in_dim3A_91 = vector.broadcast %jit3A_90 : i32 to vector<32x8x1000xi32>
    %select_n3A_92 = arith.select %eq3A_89, %add3A_26, %broadcast_in_dim3A_91 : vector<32x8x1000xi1>, vector<32x8x1000xi32>
    %reduce_min3A_93 = arith.constant dense<2147483647> : vector<32x8xi32>
    %reduce_min3A_94 = vector.multi_reduction <minsi>, %select_n3A_92, %reduce_min3A_93 [2] : vector<32x8x1000xi32> to vector<32x8xi32>
    %reduce_min3A_95 = arith.constant dense<2147483647> : vector<32xi32>
    %reduce_min3A_96 = vector.multi_reduction <minsi>, %reduce_min3A_94, %reduce_min3A_95 [1] : vector<32x8xi32> to vector<32xi32>
    %broadcast_in_dim3A_97 = vector.shape_cast %reduce_min3A_96 : vector<32xi32> to vector<32x1x1xi32>
    %eq3A_98 = vector.broadcast %broadcast_in_dim3A_97 : vector<32x1x1xi32> to vector<32x8x1000xi32>
    %eq3A_99 = arith.cmpi eq, %add3A_26, %eq3A_98 : vector<32x8x1000xi32>
    %jit3A_100 = arith.constant 0xFF800000 : f32
    %broadcast_in_dim3A_101 = vector.broadcast %jit3A_100 : f32 to vector<32x8x1000xf32>
    %select_n3A_102 = arith.select %eq3A_99, %broadcast_in_dim3A_101, %select_n3A_82 : vector<32x8x1000xi1>, vector<32x8x1000xf32>
    %reduce_max3A_103 = arith.constant dense<0xFF800000> : vector<32x8xf32>
    %reduce_max3A_104 = vector.multi_reduction <maximumf>, %select_n3A_102, %reduce_max3A_103 [2] : vector<32x8x1000xf32> to vector<32x8xf32>
    %reduce_max3A_105 = arith.constant dense<0xFF800000> : vector<32xf32>
    %reduce_max3A_106 = vector.multi_reduction <maximumf>, %reduce_max3A_104, %reduce_max3A_105 [1] : vector<32x8xf32> to vector<32xf32>
    %broadcast_in_dim3A_107 = vector.shape_cast %reduce_max3A_106 : vector<32xf32> to vector<32x1x1xf32>
    %eq3A_108 = vector.broadcast %broadcast_in_dim3A_107 : vector<32x1x1xf32> to vector<32x8x1000xf32>
    %eq3A_109 = arith.cmpf oeq, %select_n3A_102, %eq3A_108 : vector<32x8x1000xf32>
    %jit3A_110 = arith.constant 1073741824 : i32
    %broadcast_in_dim3A_111 = vector.broadcast %jit3A_110 : i32 to vector<32x8x1000xi32>
    %select_n3A_112 = arith.select %eq3A_109, %add3A_26, %broadcast_in_dim3A_111 : vector<32x8x1000xi1>, vector<32x8x1000xi32>
    %reduce_min3A_113 = arith.constant dense<2147483647> : vector<32x8xi32>
    %reduce_min3A_114 = vector.multi_reduction <minsi>, %select_n3A_112, %reduce_min3A_113 [2] : vector<32x8x1000xi32> to vector<32x8xi32>
    %reduce_min3A_115 = arith.constant dense<2147483647> : vector<32xi32>
    %reduce_min3A_116 = vector.multi_reduction <minsi>, %reduce_min3A_114, %reduce_min3A_115 [1] : vector<32x8xi32> to vector<32xi32>
    %broadcast_in_dim3A_117 = vector.shape_cast %reduce_min3A_116 : vector<32xi32> to vector<32x1x1xi32>
    %eq3A_118 = vector.broadcast %broadcast_in_dim3A_117 : vector<32x1x1xi32> to vector<32x8x1000xi32>
    %eq3A_119 = arith.cmpi eq, %add3A_26, %eq3A_118 : vector<32x8x1000xi32>
    %jit3A_120 = arith.constant 0xFF800000 : f32
    %broadcast_in_dim3A_121 = vector.broadcast %jit3A_120 : f32 to vector<32x8x1000xf32>
    %select_n3A_122 = arith.select %eq3A_119, %broadcast_in_dim3A_121, %select_n3A_102 : vector<32x8x1000xi1>, vector<32x8x1000xf32>
    %reduce_max3A_123 = arith.constant dense<0xFF800000> : vector<32x8xf32>
    %reduce_max3A_124 = vector.multi_reduction <maximumf>, %select_n3A_122, %reduce_max3A_123 [2] : vector<32x8x1000xf32> to vector<32x8xf32>
    %reduce_max3A_125 = arith.constant dense<0xFF800000> : vector<32xf32>
    %reduce_max3A_126 = vector.multi_reduction <maximumf>, %reduce_max3A_124, %reduce_max3A_125 [1] : vector<32x8xf32> to vector<32xf32>
    %broadcast_in_dim3A_127 = vector.shape_cast %reduce_max3A_126 : vector<32xf32> to vector<32x1x1xf32>
    %eq3A_128 = vector.broadcast %broadcast_in_dim3A_127 : vector<32x1x1xf32> to vector<32x8x1000xf32>
    %eq3A_129 = arith.cmpf oeq, %select_n3A_122, %eq3A_128 : vector<32x8x1000xf32>
    %jit3A_130 = arith.constant 1073741824 : i32
    %broadcast_in_dim3A_131 = vector.broadcast %jit3A_130 : i32 to vector<32x8x1000xi32>
    %select_n3A_132 = arith.select %eq3A_129, %add3A_26, %broadcast_in_dim3A_131 : vector<32x8x1000xi1>, vector<32x8x1000xi32>
    %reduce_min3A_133 = arith.constant dense<2147483647> : vector<32x8xi32>
    %reduce_min3A_134 = vector.multi_reduction <minsi>, %select_n3A_132, %reduce_min3A_133 [2] : vector<32x8x1000xi32> to vector<32x8xi32>
    %reduce_min3A_135 = arith.constant dense<2147483647> : vector<32xi32>
    %reduce_min3A_136 = vector.multi_reduction <minsi>, %reduce_min3A_134, %reduce_min3A_135 [1] : vector<32x8xi32> to vector<32xi32>
    %broadcast_in_dim3A_137 = vector.shape_cast %reduce_min3A_136 : vector<32xi32> to vector<32x1x1xi32>
    %eq3A_138 = vector.broadcast %broadcast_in_dim3A_137 : vector<32x1x1xi32> to vector<32x8x1000xi32>
    %eq3A_139 = arith.cmpi eq, %add3A_26, %eq3A_138 : vector<32x8x1000xi32>
    %jit3A_140 = arith.constant 0xFF800000 : f32
    %broadcast_in_dim3A_141 = vector.broadcast %jit3A_140 : f32 to vector<32x8x1000xf32>
    %select_n3A_142 = arith.select %eq3A_139, %broadcast_in_dim3A_141, %select_n3A_122 : vector<32x8x1000xi1>, vector<32x8x1000xf32>
    %reduce_max3A_143 = arith.constant dense<0xFF800000> : vector<32x8xf32>
    %reduce_max3A_144 = vector.multi_reduction <maximumf>, %select_n3A_142, %reduce_max3A_143 [2] : vector<32x8x1000xf32> to vector<32x8xf32>
    %reduce_max3A_145 = arith.constant dense<0xFF800000> : vector<32xf32>
    %reduce_max3A_146 = vector.multi_reduction <maximumf>, %reduce_max3A_144, %reduce_max3A_145 [1] : vector<32x8xf32> to vector<32xf32>
    %broadcast_in_dim3A_147 = vector.shape_cast %reduce_max3A_146 : vector<32xf32> to vector<32x1x1xf32>
    %eq3A_148 = vector.broadcast %broadcast_in_dim3A_147 : vector<32x1x1xf32> to vector<32x8x1000xf32>
    %eq3A_149 = arith.cmpf oeq, %select_n3A_142, %eq3A_148 : vector<32x8x1000xf32>
    %jit3A_150 = arith.constant 1073741824 : i32
    %broadcast_in_dim3A_151 = vector.broadcast %jit3A_150 : i32 to vector<32x8x1000xi32>
    %select_n3A_152 = arith.select %eq3A_149, %add3A_26, %broadcast_in_dim3A_151 : vector<32x8x1000xi1>, vector<32x8x1000xi32>
    %reduce_min3A_153 = arith.constant dense<2147483647> : vector<32x8xi32>
    %reduce_min3A_154 = vector.multi_reduction <minsi>, %select_n3A_152, %reduce_min3A_153 [2] : vector<32x8x1000xi32> to vector<32x8xi32>
    %reduce_min3A_155 = arith.constant dense<2147483647> : vector<32xi32>
    %reduce_min3A_156 = vector.multi_reduction <minsi>, %reduce_min3A_154, %reduce_min3A_155 [1] : vector<32x8xi32> to vector<32xi32>
    %broadcast_in_dim3A_157 = vector.shape_cast %reduce_min3A_156 : vector<32xi32> to vector<32x1x1xi32>
    %eq3A_158 = vector.broadcast %broadcast_in_dim3A_157 : vector<32x1x1xi32> to vector<32x8x1000xi32>
    %eq3A_159 = arith.cmpi eq, %add3A_26, %eq3A_158 : vector<32x8x1000xi32>
    %jit3A_160 = arith.constant 0xFF800000 : f32
    %broadcast_in_dim3A_161 = vector.broadcast %jit3A_160 : f32 to vector<32x8x1000xf32>
    %select_n3A_162 = arith.select %eq3A_159, %broadcast_in_dim3A_161, %select_n3A_142 : vector<32x8x1000xi1>, vector<32x8x1000xf32>
    %reduce_max3A_163 = arith.constant dense<0xFF800000> : vector<32x8xf32>
    %reduce_max3A_164 = vector.multi_reduction <maximumf>, %select_n3A_162, %reduce_max3A_163 [2] : vector<32x8x1000xf32> to vector<32x8xf32>
    %reduce_max3A_165 = arith.constant dense<0xFF800000> : vector<32xf32>
    %reduce_max3A_166 = vector.multi_reduction <maximumf>, %reduce_max3A_164, %reduce_max3A_165 [1] : vector<32x8xf32> to vector<32xf32>
    %broadcast_in_dim3A_167 = vector.shape_cast %reduce_max3A_166 : vector<32xf32> to vector<32x1x1xf32>
    %eq3A_168 = vector.broadcast %broadcast_in_dim3A_167 : vector<32x1x1xf32> to vector<32x8x1000xf32>
    %eq3A_169 = arith.cmpf oeq, %select_n3A_162, %eq3A_168 : vector<32x8x1000xf32>
    %jit3A_170 = arith.constant 1073741824 : i32
    %broadcast_in_dim3A_171 = vector.broadcast %jit3A_170 : i32 to vector<32x8x1000xi32>
    %select_n3A_172 = arith.select %eq3A_169, %add3A_26, %broadcast_in_dim3A_171 : vector<32x8x1000xi1>, vector<32x8x1000xi32>
    %reduce_min3A_173 = arith.constant dense<2147483647> : vector<32x8xi32>
    %reduce_min3A_174 = vector.multi_reduction <minsi>, %select_n3A_172, %reduce_min3A_173 [2] : vector<32x8x1000xi32> to vector<32x8xi32>
    %reduce_min3A_175 = arith.constant dense<2147483647> : vector<32xi32>
    %reduce_min3A_176 = vector.multi_reduction <minsi>, %reduce_min3A_174, %reduce_min3A_175 [1] : vector<32x8xi32> to vector<32xi32>
    %stack3A = vector.shape_cast %reduce_max3A_30 : vector<32xf32> to vector<32x1xf32>
    %stack3A_177 = vector.shape_cast %reduce_max3A_46 : vector<32xf32> to vector<32x1xf32>
    %stack3A_178 = vector.shape_cast %reduce_max3A_66 : vector<32xf32> to vector<32x1xf32>
    %stack3A_179 = vector.shape_cast %reduce_max3A_86 : vector<32xf32> to vector<32x1xf32>
    %stack3A_180 = vector.shape_cast %reduce_max3A_106 : vector<32xf32> to vector<32x1xf32>
    %stack3A_181 = vector.shape_cast %reduce_max3A_126 : vector<32xf32> to vector<32x1xf32>
    %stack3A_182 = vector.shape_cast %reduce_max3A_146 : vector<32xf32> to vector<32x1xf32>
    %stack3A_183 = vector.shape_cast %reduce_max3A_166 : vector<32xf32> to vector<32x1xf32>
    %stack3A_184 = tpu.concatenate %stack3A, %stack3A_177, %stack3A_178, %stack3A_179, %stack3A_180, %stack3A_181, %stack3A_182, %stack3A_183 in 1 : vector<32x1xf32>, vector<32x1xf32>, vector<32x1xf32>, vector<32x1xf32>, vector<32x1xf32>, vector<32x1xf32>, vector<32x1xf32>, vector<32x1xf32> -> vector<32x8xf32>
    %stack3A_185 = vector.shape_cast %reduce_min3A_36 : vector<32xi32> to vector<32x1xi32>
    %stack3A_186 = vector.shape_cast %reduce_min3A_56 : vector<32xi32> to vector<32x1xi32>
    %stack3A_187 = vector.shape_cast %reduce_min3A_76 : vector<32xi32> to vector<32x1xi32>
    %stack3A_188 = vector.shape_cast %reduce_min3A_96 : vector<32xi32> to vector<32x1xi32>
    %stack3A_189 = vector.shape_cast %reduce_min3A_116 : vector<32xi32> to vector<32x1xi32>
    %stack3A_190 = vector.shape_cast %reduce_min3A_136 : vector<32xi32> to vector<32x1xi32>
    %stack3A_191 = vector.shape_cast %reduce_min3A_156 : vector<32xi32> to vector<32x1xi32>
    %stack3A_192 = vector.shape_cast %reduce_min3A_176 : vector<32xi32> to vector<32x1xi32>
    %stack3A_193 = tpu.concatenate %stack3A_185, %stack3A_186, %stack3A_187, %stack3A_188, %stack3A_189, %stack3A_190, %stack3A_191, %stack3A_192 in 1 : vector<32x1xi32>, vector<32x1xi32>, vector<32x1xi32>, vector<32x1xi32>, vector<32x1xi32>, vector<32x1xi32>, vector<32x1xi32>, vector<32x1xi32> -> vector<32x8xi32>
    %jit3A_194 = arith.constant 1000 : i32
    %div3A = vector.broadcast %jit3A_194 : i32 to vector<32x8xi32>
    %div3A_195 = arith.divsi %stack3A_193, %div3A : vector<32x8xi32>
    %sign3A = arith.constant 0 : i32
    %sign3A_196 = vector.broadcast %sign3A : i32 to vector<32x8xi32>
    %sign3A_197 = arith.cmpi sgt, %stack3A_193, %sign3A_196 : vector<32x8xi32>
    %sign3A_198 = arith.extui %sign3A_197 : vector<32x8xi1> to vector<32x8xi32>
    %sign3A_199 = arith.constant 0 : i32
    %sign3A_200 = vector.broadcast %sign3A_199 : i32 to vector<32x8xi32>
    %sign3A_201 = arith.cmpi slt, %stack3A_193, %sign3A_200 : vector<32x8xi32>
    %sign3A_202 = arith.extui %sign3A_201 : vector<32x8xi1> to vector<32x8xi32>
    %sign3A_203 = arith.subi %sign3A_198, %sign3A_202 : vector<32x8xi32>
    %sign3A_204 = arith.constant 0 : i32
    %sign3A_205 = arith.cmpi sgt, %jit3A_194, %sign3A_204 : i32
    %sign3A_206 = arith.extui %sign3A_205 : i1 to i32
    %sign3A_207 = arith.constant 0 : i32
    %sign3A_208 = arith.cmpi slt, %jit3A_194, %sign3A_207 : i32
    %sign3A_209 = arith.extui %sign3A_208 : i1 to i32
    %sign3A_210 = arith.subi %sign3A_206, %sign3A_209 : i32
    %ne3A = vector.broadcast %sign3A_210 : i32 to vector<32x8xi32>
    %ne3A_211 = arith.cmpi ne, %sign3A_203, %ne3A : vector<32x8xi32>
    %rem3A = vector.broadcast %jit3A_194 : i32 to vector<32x8xi32>
    %rem3A_212 = arith.remsi %stack3A_193, %rem3A : vector<32x8xi32>
    %ne3A_213 = arith.constant 0 : i32
    %ne3A_214 = vector.broadcast %ne3A_213 : i32 to vector<32x8xi32>
    %ne3A_215 = arith.cmpi ne, %rem3A_212, %ne3A_214 : vector<32x8xi32>
    %and3A = arith.andi %ne3A_211, %ne3A_215 : vector<32x8xi1>
    %sub3A_216 = arith.constant 1 : i32
    %sub3A_217 = vector.broadcast %sub3A_216 : i32 to vector<32x8xi32>
    %sub3A_218 = arith.subi %div3A_195, %sub3A_217 : vector<32x8xi32>
    %select_n3A_219 = arith.select %and3A, %sub3A_218, %div3A_195 : vector<32x8xi1>, vector<32x8xi32>
    %swap3A = arith.constant 0 : index
    %swap3A_220 = arith.constant 0 : index
    %swap3A_221 = vector.load %arg4[%swap3A, %swap3A_220] : memref<32x8xf32, #tpu.memory_space<vmem>>, vector<32x8xf32>
    tpu.vector_store %arg4[%swap3A, %swap3A_220], %stack3A_184 {strides = array<i32>} : memref<32x8xf32, #tpu.memory_space<vmem>>, vector<32x8xf32>,
    %swap3A_222 = arith.constant 0 : index
    %swap3A_223 = arith.constant 0 : index
    %swap3A_224 = vector.load %arg5[%swap3A_222, %swap3A_223] : memref<32x8xi32, #tpu.memory_space<vmem>>, vector<32x8xi32>
    tpu.vector_store %arg5[%swap3A_222, %swap3A_223], %select_n3A_219 {strides = array<i32>} : memref<32x8xi32, #tpu.memory_space<vmem>>, vector<32x8xi32>,
    %mul3A_225 = arith.constant 1000 : i32
    %mul3A_226 = vector.broadcast %mul3A_225 : i32 to vector<32x8xi32>
    %mul3A_227 = arith.muli %select_n3A_219, %mul3A_226 : vector<32x8xi32>
    %sub3A_228 = arith.subi %stack3A_193, %mul3A_227 : vector<32x8xi32>
    %swap3A_229 = arith.constant 0 : index
    %swap3A_230 = arith.constant 0 : index
    %swap3A_231 = vector.load %arg6[%swap3A_229, %swap3A_230] : memref<32x8xi32, #tpu.memory_space<vmem>>, vector<32x8xi32>
    tpu.vector_store %arg6[%swap3A_229, %swap3A_230], %sub3A_228 {strides = array<i32>} : memref<32x8xi32, #tpu.memory_space<vmem>>, vector<32x8xi32>,
    return
  }
  func.func @transform_0(%arg0: i32) -> (i32, i32, i32) {
    %c0_i32 = arith.constant 0 : i32
    %c0_i32_0 = arith.constant 0 : i32
    %c0_i32_1 = arith.constant 0 : i32
    return %arg0, %c0_i32, %c0_i32_0 : i32, i32, i32
  }
  func.func @transform_1(%arg0: i32) -> (i32, i32) {
    %c0_i32 = arith.constant 0 : i32
    %c0_i32_0 = arith.constant 0 : i32
    return %arg0, %c0_i32 : i32, i32
  }
  func.func @transform_2(%arg0: i32) -> (i32, i32) {
    %c0_i32 = arith.constant 0 : i32
    %c0_i32_0 = arith.constant 0 : i32
    return %arg0, %c0_i32 : i32, i32
  }
  func.func @transform_3(%arg0: i32) -> (i32, i32) {
    %c0_i32 = arith.constant 0 : i32
    %c0_i32_0 = arith.constant 0 : i32
    return %arg0, %c0_i32 : i32, i32
  }
  func.func @transform_4(%arg0: i32) -> (i32, i32) {
    %c0_i32 = arith.constant 0 : i32
    %c0_i32_0 = arith.constant 0 : i32
    return %arg0, %c0_i32 : i32, i32
  }
  func.func @transform_5(%arg0: i32) -> (i32, i32) {
    %c0_i32 = arith.constant 0 : i32
    %c0_i32_0 = arith.constant 0 : i32
    return %arg0, %c0_i32 : i32, i32
  }
}

</mosaic_0001>

<sc_bundles>
// kernel: kernel.5.cloned.1.call-start
scs
__scs_entry_jumppad:
0x0: {  	(pc) =	sbr.rel $0x88, $3  }
0x1: {  	(tag) =	ssettag $0x0;
	lr =	simm.s32 $0x1  }
0x2: {  	[smem:$0x3F9C] =	sst lr;
	_ =	strace $0xD0000000  }
0x3: {  	_ = 	snop  }
0x4: {  	_ = 	snop  }
0x5: {  	_ = 	snop  }
0x6: {  	_ = 	snop  }
0x7: {  	_ = 	snop  }
__scs_overlays_trampoline_lowered:
0x8: {  	[smem:$0x3FAB] =	sst s0  }
0x9: {  	[smem:$0x3FAC] =	sst s1  }
0xa: {  	[smem:$0x3FAD] =	sst s2  }
0xb: {  	[smem:$0x3FAE] =	sst s3  }
0xc: {  	[smem:$0x3FAF] =	sst s4  }
0xd: {  	[smem:$0x3FB0] =	sst s5  }
0xe: {  	[smem:$0x3FB1] =	sst s6  }
0xf: {  	[smem:$0x3FB2] =	sst s7  }
0x10: {  	[smem:$0x3FB3] =	sst s8  }
0x11: {  	[smem:$0x3FB4] =	sst s9;
	s0 =	simm.s32 @!p0 $0x0  }
0x12: {  	s1 =	sld [smem:$0x3F9A];
	s0 =	simm.s32 @p0 $0x1  }
0x13: {  	[smem:$0x3FB5] =	sst s0;
	s0 =	simm.s32 @!p1 $0x0  }
0x14: {  	s2 =	sld [smem:$0x3F99];
	s0 =	simm.s32 @p1 $0x1  }
0x15: {  	[smem:$0x3FB6] =	sst s0;
	s0 =	simm.s32 @!p2 $0x0  }
0x16: {  	s3 =	sld [smem:$0x3FDB];
	s0 =	simm.s32 @p2 $0x1  }
0x17: {  	s4 =	simm.s32 $0x1BF5;
	[smem:$0x3FB8] =	sst s0  }
0x18: {  	s0 =	sld [smem:$0x3F9B];
	_ =	swait.ge [sflag:s4], $0x0  }
0x19: {  	s7 =	sld [smem:$0x3F9C]  }
0x1a: {  	s8 =	sadd.s32 $0xFFFFE003, lr  }
0x1b: {  	s9 =	sadd.s32 $0xFFFFFEF7, lr;
	s5 =	simm.s32 $0xFFFFFFFF;
	p2 =	slt.u32 s8, $0xFFFFF086  }
0x1c: {  	p1 =	slt.u32 s9, $0xF7A;
	s5 =	simm.s32 @!p2 $0x0  }
0x1d: {  	s5 =	simm.s32 @p1 $0x1;
	p0 =	seq.s32 s7, s2  }
0x1e: {  	s7 =	smul.u32 @!p0 $0xF7A, s2;
	p2 =	seq.s32 @!p0 s5, $0x0  }
0x1f: {  	s9 =	smul.u32 $0xF7A, s1;
	s8 =	simm.s32 @!p0 $0x1BF5;
	p2 =	por !p2, p0  }
0x20: {  	[sflag:s8] =	ssyncset.s32 @!p0 $0xFFFFF086;
	s6 =	sadd.s32 @!p0 s3, s7;
	s7 =	simm.s32 @!p0 $0x108  }
0x21: {  	s3 =	sadd.s32 s3, s9;
	s6 =	sadd.s32 @!p0 $0x88, s6;
	s7 =	simm.s32 @p2 $0x1082  }
0x22: {  	[simem:s7], [sflag:s8] =	dma.local @!p0 [hbm:s6], $0xF7A  }
0x23: {  	s9 =	sor.u32 $0xD0000000, s2;
	s6 =	simm.s32 $0x108;
	_ =	swait.ge @!p0 [sflag:s8], $0x0  }
0x24: {  	s3 =	sadd.s32 $0x88, s3;
	s6 =	simm.s32 @!p1 $0x1082;
	[sflag:s4] =	ssyncset.s32 $0xFFFFF086  }
0x25: {  	[simem:s6], [sflag:s4] =	dma.local [hbm:s3], $0xF7A  }
0x26: {  	[smem:$0x3F9C] =	sst s1;
	(tag) =	ssettag s2;
	_ =	strace s9  }
0x27: {  	s1 =	sld [smem:$0x3FAC]  }
0x28: {  	s2 =	sld [smem:$0x3FAD]  }
0x29: {  	s4 =	sld [smem:$0x3FAF]  }
0x2a: {  	p0 =	seq.s32 s5, $0x0;
	s5 =	sld [smem:$0x3FB0]  }
0x2b: {  	s6 =	sld [smem:$0x3FB1]  }
0x2c: {  	s7 =	sld [smem:$0x3FB2]  }
0x2d: {  	s3 =	simm.s32 $0x108;
	s8 =	sld [smem:$0x3FB3]  }
0x2e: {  	s3 =	simm.s32 @!p0 $0x1082;
	s9 =	sld [smem:$0x3FB4]  }
0x2f: {  	lr =	sadd.s32 s0, s3;
	s0 =	sld [smem:$0x3FAB]  }
0x30: {  	s3 =	sld [smem:$0x3FAE]  }
0x31: {  	[smem:$0x3FB7] =	sst s10  }
0x32: {  	s10 =	sld [smem:$0x3FB5];
	_ =	sdelay $0x3  }
0x33: {  	p0 =	seq.s32 s10, $0x1;
	s10 =	sld [smem:$0x3FB7];
	_ =	sdelay $0x3  }
0x34: {  	[smem:$0x3FB7] =	sst s10  }
0x35: {  	s10 =	sld [smem:$0x3FB6];
	_ =	sdelay $0x3  }
0x36: {  	p1 =	seq.s32 s10, $0x1;
	s10 =	sld [smem:$0x3FB7];
	_ =	sdelay $0x3  }
0x37: {  	[smem:$0x3FB7] =	sst s10  }
0x38: {  	s10 =	sld [smem:$0x3FB8]  }
0x39: {  	_ = 	snop;
	(pc) =	sbr.ind lr, $3  }
0x3a: {  	_ = 	snop  }
0x3b: {  	_ = 	snop  }
0x3c: {  	p2 =	seq.s32 s10, $0x1;
	s10 =	sld [smem:$0x3FB7]  }
0x3d: {  	_ =	shalt  }
0x3e: {  	_ =	shalt  }
0x3f: {  	_ =	shalt  }
0x40: {  	_ =	shalt  }
0x41: {  	_ =	shalt  }
0x42: {  	_ =	shalt  }
0x43: {  	_ =	shalt  }
0x44: {  	_ =	shalt  }
0x45: {  	_ =	shalt  }
0x46: {  	_ =	shalt  }
0x47: {  	_ =	shalt  }
0x48: {  	_ =	shalt  }
0x49: {  	_ =	shalt  }
0x4a: {  	_ =	shalt  }
0x4b: {  	_ =	shalt  }
0x4c: {  	_ =	shalt  }
0x4d: {  	_ =	shalt  }
0x4e: {  	_ =	shalt  }
0x4f: {  	_ =	shalt  }
0x50: {  	_ =	shalt  }
0x51: {  	_ =	shalt  }
0x52: {  	_ =	shalt  }
0x53: {  	_ =	shalt  }
0x54: {  	_ =	shalt  }
0x55: {  	_ =	shalt  }
0x56: {  	_ =	shalt  }
0x57: {  	_ =	shalt  }
0x58: {  	_ =	shalt  }
0x59: {  	_ =	shalt  }
0x5a: {  	_ =	shalt  }
0x5b: {  	_ =	shalt  }
0x5c: {  	_ =	shalt  }
0x5d: {  	_ =	shalt  }
0x5e: {  	_ =	shalt  }
0x5f: {  	_ =	shalt  }
0x60: {  	_ =	shalt  }
0x61: {  	_ =	shalt  }
0x62: {  	_ =	shalt  }
0x63: {  	_ =	shalt  }
0x64: {  	_ =	shalt  }
0x65: {  	_ =	shalt  }
0x66: {  	_ =	shalt  }
0x67: {  	_ =	shalt  }
0x68: {  	_ =	shalt  }
0x69: {  	_ =	shalt  }
0x6a: {  	_ =	shalt  }
0x6b: {  	_ =	shalt  }
0x6c: {  	_ =	shalt  }
0x6d: {  	_ =	shalt  }
0x6e: {  	_ =	shalt  }
0x6f: {  	_ =	shalt  }
0x70: {  	_ =	shalt  }
0x71: {  	_ =	shalt  }
0x72: {  	_ =	shalt  }
0x73: {  	_ =	shalt  }
0x74: {  	_ =	shalt  }
0x75: {  	_ =	shalt  }
0x76: {  	_ =	shalt  }
0x77: {  	_ =	shalt  }
0x78: {  	_ =	shalt  }
0x79: {  	_ =	shalt  }
0x7a: {  	_ =	shalt  }
0x7b: {  	_ =	shalt  }
0x7c: {  	_ =	shalt  }
0x7d: {  	_ =	shalt  }
0x7e: {  	_ =	shalt  }
0x7f: {  	_ =	shalt  }
0x80: {  	_ =	shalt  }
0x81: {  	_ =	shalt  }
0x82: {  	_ =	shalt  }
0x83: {  	_ =	shalt  }
0x84: {  	_ =	shalt  }
0x85: {  	_ =	shalt  }
0x86: {  	_ =	shalt  }
0x87: {  	_ =	shalt  }
.Lfunc_end0:
.L_simem_size_0:
called_computation_lowered:
.L_overlay_start_0:
0x88: {  	s2 =	sld [smem:$0x3FD9]  }
0x89: {  	s3 =	sld [smem:$0x3FFE];
	_ =	sdelay $0x1  }
0x8a: {  	s1 =	srdreg.scid  }
0x8b: {  	s0 =	sand.u32 $0x1, s1  }
0x8c: {  	s14 =	sshll.u32 s0, $0xA;
	s2 =	sadd.s32 s3, s2  }
0x8d: {  	s2 =	sadd.s32 s2, s14  }
0x8e: {  	[smem:$0x3FC3] =	sst s2  }
0x8f: {  	_ = 	snop  }
0x90: {  	s2 =	sld [smem:$0x3FD0];
	_ =	sdelay $0x2  }
0x91: {  	s15 =	simm.s32 $0xA;
	s4 =	simm.s32 $0x10  }
0x92: {  	[smem:s4], [sflag:s15] =	dma.local [hbm:s2], $0x1  }
0x93: {  	_ =	swait.eq [sflag:s15], $0x1  }
0x94: {  	[sflag:s15] =	ssyncset.done $0x0  }
0x95: {  	[sflag:s15] =	ssyncadd.s32 $0xFFFFFFFF  }
0x96: {  	s16 =	sld [smem:$0x12];
	(tm) =	ssettm $0x1  }
0x97: {  	s17 =	sld [smem:$0x3FFB];
	_ =	sdelay $0x3  }
0x98: {  	_ =	strace s17  }
0x99: {  	s3 =	sld [smem:$0x3FFC];
	_ =	sdelay $0x3  }
0x9a: {  	_ =	strace s3  }
0x9b: {  	s3 =	sld [smem:$0x3FFD];
	_ =	sdelay $0x3  }
0x9c: {  	_ =	strace s3  }
0x9d: {  	_ =	strace $0x8FFFFFFF  }
0x9e: {  	s18 =	sld [smem:$0x3FDB];
	_ =	sdelay $0x1  }
0x9f: {  	s19 =	simm.s32 $_scs_section_size  }
0xa0: {  	s5 =	simm.s32 $_size__tile_overlayer_lowered;
	s6 =	simm.s32 $_tile_overlayer_lowered  }
0xa1: {  	s22 =	simm.s32 $0x1BFF;
	s21 =	sshll.u32 s6, $0x1;
	s3 =	sadd.s32 s19, s18  }
0xa2: {  	s7 =	simm.s32 $0x0;
	s20 =	sshll.u32 s5, $0x1;
	s5 =	sadd.s32 s21, s3  }
0xa3: {  	[timem:s7], [sflag:s22] =	dma.local [hbm:s5], s20  }
0xa4: {  	_ =	swait.ge [sflag:s22], s20  }
0xa5: {  	s4 =	ssub.s32 $0x0, s20;
	[sflag:s22] =	ssyncset.done $0x0  }
0xa6: {  	[sflag:s22] =	ssyncadd.s32 s4;
	_ =	sdelay $0x1  }
0xa7: {  	s23 =	simm.s32 $0x1B8B  }
0xa8: {  	_ =	swait.ge [sflag:s23], $0x1  }
0xa9: {  	[sflag:s23] =	ssyncset.done $0x0  }
0xaa: {  	s25 =	simm.s32 $0x1B8E;
	s24 =	sld [smem:$0x3FFE];
	[sflag:s23] =	ssyncadd.s32 $0xFFFFFFFF  }
0xab: {  	s26 =	simm.s32 $execute0_lowered;
	[smem:$0x3FD2] =	sst s25  }
0xac: {  	s5 =	sshll.u32 s26, $0x1;
	_ =	strace $0x80000046;
	[dreg:$0x1] =	wrdreg $0xFFFFFFFF  }
0xad: {  	s28 =	simm.s32 $_size_execute0_lowered;
	s3 =	sadd.s32 s3, s5;
	[dreg:$0x0] =	wrdreg $0x0  }
0xae: {  	s5 =	sshll.u32 s28, $0x1;
	[dreg:$0x2] =	wrdreg s3  }
0xaf: {  	[dreg:$0x3] =	wrdreg s5  }
0xb0: {  	[dreg:$0x4] =	wrdreg $0xC0  }
0xb1: {  	_ =	task [dreg:s7], $0x5FFFF  }
0xb2: {  	[dreg:$0x1] =	wrdreg $0xFFFFFFFF  }
0xb3: {  	[dreg:$0x0] =	wrdreg $0x60  }
0xb4: {  	[dreg:$0x2] =	wrdreg s24  }
0xb5: {  	[dreg:$0x3] =	wrdreg s16  }
0xb6: {  	[dreg:$0x4] =	wrdreg $0x9  }
0xb7: {  	_ =	task.clear_ibuf [dreg:s7], $0x5FFFF;
	_ =	strace $0x90000046  }
0xb8: {  	s29 =	simm.s32 $0x9;
	_ =	strace $0x80000048  }
0xb9: {  	_ =	swait.ge [sflag:s29], $0x1  }
0xba: {  	[sflag:s29] =	ssyncadd.s32 $0xFFFFFFFF  }
0xbb: {  	_ =	strace $0x90000048  }
0xbc: {  	_ =	sfence  }
0xbd: {  	s30 =	sld [smem:$0x0];
	_ =	sdelay $0x2  }
0xbe: {  	s31 =	sshll.u32 s1, $0xD;
	s1 =	sshrl.u32 s1, $0x2  }
0xbf: {  	s3 =	sand.u32 $0x4000, s31;
	s1 =	sadd.s32 s1, s30  }
0xc0: {  	s0 =	sor.u32 s3, s0;
	s1 =	sshll.u32 s1, $0x11  }
0xc1: {  	s0 =	sor.u32 s1, s0  }
0xc2: {  	s0 =	sadd.s32 $0x8F2B, s0  }
0xc3: {  	[sflag:s0] =	ssyncadd.remote.s32 $0x1  }
0xc4: {  	_ =	sfence.sel $0xFFFF  }
0xc5: {  	[dreg:$0x0] =	wrdreg $0xFFFFFFFF;
	(pc) =	sbr.abs _section_cstart, $3  }
0xc6: {  	[dreg:$0x1] =	wrdreg $0xFFFFFFFF  }
0xc7: {  	_ =	task.clear_ibuf [dreg:s7], $0x2FFFF;
	_ =	strace $0x9FFFFFFF  }
0xc8: {  	(tm) =	ssettm $0x7FFFFFFF  }
0xc9: {  	_ =	shalt  }
tec
execute0_lowered:
.L_overlay_start_1:
0x0: {  	(tag) =	ssettag $0x1  }
0x1: {  	s7 =	rddreg [dreg:$0x0]  }
0x2: {  	s4 =	rddreg [dreg:$0x1]  }
0x3: {  	s0 =	rddreg [dreg:$0x2];
	s3 =	srdreg.scid  }
0x4: {  	s2 =	simm.s32 $0x0;
	s1 =	stileid.u32;
	s10 =	simm.s32 $0x2  }
0x5: {  	s11 =	simm.s32 $0x80;
	s12 =	simm.s32 $0x880;
	s13 =	simm.s32 $0x1080  }
0x6: {  	s14 =	simm.s32 $0x1880;
	s15 =	simm.s32 $0x2080;
	s16 =	simm.s32 $0x2880  }
0x7: {  	s17 =	simm.s32 $0x3080;
	s18 =	simm.s32 $0x3880;
	s19 =	simm.s32 $0x4080  }
0x8: {  	s20 =	simm.s32 $0x4880;
	s21 =	simm.s32 $0x5080;
	s22 =	simm.s32 $0x5880  }
0x9: {  	s23 =	simm.s32 $0x6080;
	s24 =	simm.s32 $0x6880;
	s25 =	simm.s32 $0x7080  }
0xa: {  	s26 =	simm.s32 $0x7880;
	s28 =	simm.s32 $0x1;
	s3 =	sand.u32 $0x1, s3  }
0xb: {  	[smem:$0x7FF] =	sst s2;
	s5 =	sshll.u32 s1, $0x6;
	s6 =	sshll.u32 s3, $0x5  }
0xc: {  	_ =	strace $0x80000047;
	s31 =	ssub.s32 $0x2, s3;
	s3 =	sadd.s32 $0xA0400, s7  }
0xd: {  	s5 =	sor.u32 s6, s5;
	s9 =	sshrl.u32 s31, $0x1;
	s6 =	sadd.s32 $0xA0600, s7  }
0xe: {  	v2 =	vlaneseq.u32;
	s8 =	sshll.u32 s5, $0x7;
	s9 =	ssub.s32 s31, s9;
	s5 =	sshrl.u32 s5, $0x3  }
0xf: {  	vm0 =	vmmov $0xffff;
	v1 =	vshrl.u32 v2, $0x3;
	s8 =	sadd.s32 s8, s7;
	s4 =	sadd.s32 s4, s5;
	s5 =	sadd.s32 $0xA0500, s7  }
0x10: {  	v0 =	vand.u32 $0x7, v2;
	v2 =	vor.u32 $0x8, v2;
	v1 =	vmul.u32 $0x8, v1;
	s7 =	sadd.s32 $0xA0700, s7;
	s9 =	smax.u32 s9, $0x1;
	s8 =	sadd.s32 $0xBF800, s8  }
.LBB2_1:
0x11: {  	[tilespmem:s2], [sflag:$0x2] =	stream.linear.gather [hbm4b:s4+s2], $0x20, $0x38;
	[tilespmem:$0x8080] =	vst v63  }
0x12: {  	_ =	swait.ge [sflag:s10], $0x20  }
0x13: {  	[sflag:s10] =	ssyncset.done $0x0  }
0x14: {  	[sflag:s10] =	ssyncadd.s32 $0xFFFFFFE0  }
0x15: {  	v3 =	vld [tilespmem:$0x0];
	_ =	sdelay $0x4  }
0x16: {  	v4 =	vshll.u32 v3, $0x3  }
0x17: {  	v3 =	vand.u32 $0x7, v3;
	v4 =	vand.u32 $0xFFFFFFC0, v4  }
0x18: {  	v3 =	vor.u32 v3, v4  }
0x19: {  	v4 =	vperm.xlane v3, v0;
	_ =	sdelay $0x1  }
0x1a: {  	v4 =	vadd.s32 v1, v4;
	_ =	sdelay $0x4  }
0x1b: {  	[tilespmem:s11], [sflag:$0x1] =	stream.indirect_vreg.gather [hbm4b:s3+s2], $0x80, v4, vm0, $0xb8;
	[tilespmem:$0x8080] =	vst v63  }
0x1c: {  	v3 =	vperm.xlane v3, v2  }
0x1d: {  	[tilespmem:s12], [sflag:$0x1] =	stream.indirect_vreg.gather [hbm4b:s5+s2], $0x80, v4, vm0, $0xb8;
	[tilespmem:$0x8080] =	vst v63  }
0x1e: {  	v3 =	vadd.s32 v1, v3  }
0x1f: {  	[tilespmem:s13], [sflag:$0x1] =	stream.indirect_vreg.gather [hbm4b:s6+s2], $0x80, v4, vm0, $0xb8;
	[tilespmem:$0x8080] =	vst v63  }
0x20: {  	_ = 	snop  }
0x21: {  	[tilespmem:s14], [sflag:$0x1] =	stream.indirect_vreg.gather [hbm4b:s7+s2], $0x80, v4, vm0, $0xb8;
	[tilespmem:$0x8080] =	vst v63  }
0x22: {  	_ = 	snop  }
0x23: {  	[tilespmem:s15], [sflag:$0x1] =	stream.indirect_vreg.gather [hbm4b:s3+s2], $0x80, v3, vm0, $0xb8;
	[tilespmem:$0x8080] =	vst v63  }
0x24: {  	_ = 	snop  }
0x25: {  	[tilespmem:s16], [sflag:$0x1] =	stream.indirect_vreg.gather [hbm4b:s5+s2], $0x80, v3, vm0, $0xb8;
	[tilespmem:$0x8080] =	vst v63  }
0x26: {  	_ = 	snop  }
0x27: {  	[tilespmem:s17], [sflag:$0x1] =	stream.indirect_vreg.gather [hbm4b:s6+s2], $0x80, v3, vm0, $0xb8;
	[tilespmem:$0x8080] =	vst v63  }
0x28: {  	_ = 	snop  }
0x29: {  	[tilespmem:s18], [sflag:$0x1] =	stream.indirect_vreg.gather [hbm4b:s7+s2], $0x80, v3, vm0, $0xb8;
	[tilespmem:$0x8080] =	vst v63  }
0x2a: {  	v3 =	vld [tilespmem:$0x10];
	_ =	sdelay $0x4  }
0x2b: {  	v63 =	vshll.u32 v3, $0x3  }
0x2c: {  	v3 =	vand.u32 $0x7, v3;
	v4 =	vand.u32 $0xFFFFFFC0, v63  }
0x2d: {  	v3 =	vor.u32 v3, v4  }
0x2e: {  	v4 =	vperm.xlane v3, v0;
	_ =	sdelay $0x1  }
0x2f: {  	v4 =	vadd.s32 v1, v4;
	_ =	sdelay $0x4  }
0x30: {  	[tilespmem:s19], [sflag:$0x1] =	stream.indirect_vreg.gather [hbm4b:s3+s2], $0x80, v4, vm0, $0xb8;
	[tilespmem:$0x8080] =	vst v63  }
0x31: {  	v3 =	vperm.xlane v3, v2  }
0x32: {  	[tilespmem:s20], [sflag:$0x1] =	stream.indirect_vreg.gather [hbm4b:s5+s2], $0x80, v4, vm0, $0xb8;
	[tilespmem:$0x8080] =	vst v63  }
0x33: {  	v3 =	vadd.s32 v1, v3  }
0x34: {  	[tilespmem:s21], [sflag:$0x1] =	stream.indirect_vreg.gather [hbm4b:s6+s2], $0x80, v4, vm0, $0xb8;
	[tilespmem:$0x8080] =	vst v63  }
0x35: {  	_ = 	snop  }
0x36: {  	[tilespmem:s22], [sflag:$0x1] =	stream.indirect_vreg.gather [hbm4b:s7+s2], $0x80, v4, vm0, $0xb8;
	[tilespmem:$0x8080] =	vst v63  }
0x37: {  	_ = 	snop  }
0x38: {  	[tilespmem:s23], [sflag:$0x1] =	stream.indirect_vreg.gather [hbm4b:s3+s2], $0x80, v3, vm0, $0xb8;
	[tilespmem:$0x8080] =	vst v63  }
0x39: {  	_ = 	snop  }
0x3a: {  	[tilespmem:s24], [sflag:$0x1] =	stream.indirect_vreg.gather [hbm4b:s5+s2], $0x80, v3, vm0, $0xb8;
	[tilespmem:$0x8080] =	vst v63  }
0x3b: {  	_ = 	snop  }
0x3c: {  	[tilespmem:s25], [sflag:$0x1] =	stream.indirect_vreg.gather [hbm4b:s6+s2], $0x80, v3, vm0, $0xb8;
	[tilespmem:$0x8080] =	vst v63  }
0x3d: {  	_ = 	snop  }
0x3e: {  	[tilespmem:s26], [sflag:$0x1] =	stream.indirect_vreg.gather [hbm4b:s7+s2], $0x80, v3, vm0, $0xb8;
	[tilespmem:$0x8080] =	vst v63  }
0x3f: {  	_ =	swait.ge [sflag:s28], $0x8000  }
0x40: {  	p0 =	sne.s32 s9, $0x1;
	[sflag:s28] =	ssyncset.done $0x0  }
.Ltmp0:
0x41: {  	[sflag:s28] =	ssyncadd.s32 $0xFFFF8000;
	(pc) =	sbr.rel @p0 .LBB2_1-.Ltmp0, $4  }
0x42: {  	[hbm4b:s8+s2] =	stream.linear.scatter [tilespmem:s11], [sflag:$0x2], $0x8000, $0x38;
	[tilespmem:$0x8080] =	vst v63  }
0x43: {  	_ =	swait.ge [sflag:s10], $0x8000  }
0x44: {  	[sflag:s10] =	ssyncset.done $0x0  }
0x45: {  	s9 =	sadd.s32 $0xFFFFFFFF, s9;
	[sflag:s10] =	ssyncadd.s32 $0xFFFF8000  }
0x46: {  	_ =	sfence.sel $0x180000  }
0x47: {  	[bflag:$0x0] =	sbarrier.arrive $0xFFFF  }
0x48: {  	p0 =	sne.s32 s1, $0x0;
	_ =	strace $0x90000047  }
0x49: {  	s0 =	sadd.s32 @!p0 $0x100000, s0;
	[bflag:$0x2] =	sbarrier.arrive $0xFFFF  }
0x4a: {  	[sflag:s0] =	ssyncadd.tile.s32 @!p0 $0x1;
	_ =	shalt  }
.Lfunc_end2:
_tile_overlayer_lowered:
.L_overlay_start_2:
0x4b: {  	(tag) =	ssettag $0x2  }
0x4c: {  	s0 =	rddreg [dreg:$0x0];
	s2 =	stileid.u32  }
0x4d: {  	s1 =	rddreg [dreg:$0x1];
	p0 =	sne.s32 s2, $0x0  }
0x4e: {  	s3 =	rddreg [dreg:$0x2];
	[bflag:$0x3] =	sbarrier.arrive $0xFFFF;
	s2 =	simm.s32 @!p0 $0x1C02  }
0x4f: {  	[timem:s3], [sflag:s2] =	dma.local @!p0 [hbm:s0], s1  }
0x50: {  	s0 =	simm.s32 @!p0 $0x2  }
0x51: {  	_ =	swait.ge @!p0 [sflag:s0], s1  }
0x52: {  	s1 =	ssub.s32 @!p0 $0x0, s1;
	[sflag:s0] =	ssyncset.done @!p0 $0x0  }
0x53: {  	[sflag:s0] =	ssyncadd.s32 @!p0 s1  }
0x54: {  	[bflag:$0x3] =	sbarrier.arrive $0xFFFF  }
0x55: {  	_ =	shalt  }

</sc_bundles>
